<compile_context>
chip_gen: v7x
topology: tpu7x:2x2x1
jax: 0.10.2.dev20260603
libtpu: 0.0.44.dev20260713+nightly
codegen_flags: <defaults>
</compile_context>

<pallas_src>
import jax
import jax.numpy as jnp
from jax.experimental import pallas as pl
from jax.experimental.pallas import tpu as pltpu

FEAT = 256
QS = 16384
BATCH = 1024
INV_T = 1.0 / 0.07
CW = 1024
NCB = (QS + 1 + CW - 1) // CW
NMB = QS // CW


def _body(q_ref, mem_ref, ksf_ref, kdf1_ref, kdf2_ref,
          kasf_ref, kadf1_ref, kadf2_ref,
          out_ref, lpos_ref, pos12_ref, nm_ref, carry_ref):
    c = pl.program_id(0)
    q = q_ref[...]
    m = mem_ref[...]

    prev = jnp.where(c == 0, jnp.zeros((1, FEAT), jnp.float32), carry_ref[...])
    rhs = jnp.concatenate([prev, m[:CW - 1]], axis=0)
    carry_ref[...] = m[CW - 1:CW]

    tile = jax.lax.dot_general(
        q, rhs, (((1,), (1,)), ((), ())),
        preferred_element_type=jnp.float32,
    ) * INV_T
    out_ref[...] = tile

    @pl.when(c == 0)
    def _():
        psf = jnp.sum(q * ksf_ref[...], axis=1, keepdims=True)
        pd1 = jnp.sum(q * kdf1_ref[...], axis=1, keepdims=True)
        pd2 = jnp.sum(q * kdf2_ref[...], axis=1, keepdims=True)
        lpos_ref[...] = psf
        out_ref[0:BATCH, 0:1] = psf * INV_T
        pos12_ref[0:BATCH] = pd1 * INV_T
        pos12_ref[BATCH:2 * BATCH] = pd2 * INV_T

    @pl.when(c == 0)
    def _():
        nm_ref[...] = kasf_ref[...]

    @pl.when(c == 1)
    def _():
        nm_ref[...] = kadf1_ref[...]

    @pl.when(c == 2)
    def _():
        nm_ref[...] = kadf2_ref[...]

    @pl.when(c >= 3)
    def _():
        nm_ref[...] = m


def kernel(q, k_sf, k_df1, k_df2, k_all_sf, k_all_df1, k_all_df2, memory):
    _full = lambda c: (0, 0)
    sec0, l_pos_sf, pos12, new_memory = pl.pallas_call(
        _body,
        grid=(NCB,),
        in_specs=[
            pl.BlockSpec((BATCH, FEAT), _full),
            pl.BlockSpec((CW, FEAT), lambda c: (jnp.minimum(c, NMB - 1), 0)),
            pl.BlockSpec((BATCH, FEAT), _full),
            pl.BlockSpec((BATCH, FEAT), _full),
            pl.BlockSpec((BATCH, FEAT), _full),
            pl.BlockSpec((BATCH, FEAT), _full),
            pl.BlockSpec((BATCH, FEAT), _full),
            pl.BlockSpec((BATCH, FEAT), _full),
        ],
        out_specs=[
            pl.BlockSpec((BATCH, CW), lambda c: (0, c)),
            pl.BlockSpec((BATCH, 1), _full),
            pl.BlockSpec((2 * BATCH, 1), _full),
            pl.BlockSpec((CW, FEAT), lambda c: (jnp.minimum(c, NMB - 1), 0)),
        ],
        out_shape=[
            jax.ShapeDtypeStruct((BATCH, QS + 1), jnp.float32),
            jax.ShapeDtypeStruct((BATCH, 1), jnp.float32),
            jax.ShapeDtypeStruct((2 * BATCH, 1), jnp.float32),
            jax.ShapeDtypeStruct((QS, FEAT), jnp.float32),
        ],
        scratch_shapes=[pltpu.VMEM((1, FEAT), jnp.float32)],
    )(q, memory, k_sf, k_df1, k_df2, k_all_sf, k_all_df1, k_all_df2)

    rep_idx = jnp.tile(jnp.arange(BATCH, dtype=jnp.int32), 3)
    rep = jnp.take(sec0, rep_idx, axis=0)
    out = jax.lax.dynamic_update_slice(rep, pos12, (BATCH, 0))
    return (out, l_pos_sf, new_memory)

# --- scband reference (transcript-rebuilt; emitter-appended) ---
"""Pipeline reference for scband-memory-mcl-3839700762793 (READ-ONLY COPY).

The authoritative reference and input builder live on the scoring server;
editing this copy changes nothing except your own understanding.
"""

import jax, jax.numpy as jnp
import numpy as np
import math

FEATURE_DIM = 256
QUEUE_SIZE = 16384
TEMPERATURE = 0.07
BATCH = 1024


def setup_inputs(seed: int = 0) -> dict:
    key = jax.random.key(seed)
    ks = jax.random.split(key, 8)
    D = FEATURE_DIM
    q = jax.random.normal(ks[0], (BATCH, D), dtype=jnp.float32)
    k_sf = jax.random.normal(ks[1], (BATCH, D), dtype=jnp.float32)
    k_df1 = jax.random.normal(ks[2], (BATCH, D), dtype=jnp.float32)
    k_df2 = jax.random.normal(ks[3], (BATCH, D), dtype=jnp.float32)
    k_all_sf = jax.random.normal(ks[4], (BATCH, D), dtype=jnp.float32)
    k_all_df1 = jax.random.normal(ks[5], (BATCH, D), dtype=jnp.float32)
    k_all_df2 = jax.random.normal(ks[6], (BATCH, D), dtype=jnp.float32)
    stdv = 1.0 / math.sqrt(D / 3)
    memory = jax.random.uniform(ks[7], (QUEUE_SIZE, D), dtype=jnp.float32) * (2 * stdv) - stdv
    return {
        "q": q,
        "k_sf": k_sf,
        "k_df1": k_df1,
        "k_df2": k_df2,
        "k_all_sf": k_all_sf,
        "k_all_df1": k_all_df1,
        "k_all_df2": k_all_df2,
        "memory": memory,
    }


def reference(q, k_sf, k_df1, k_df2, k_all_sf, k_all_df1, k_all_df2, memory):
    # inter=True, multi_clip=True path; self.index starts at 0
    temperature = TEMPERATURE
    queue_size = memory.shape[0]
    index = 0

    l_pos_sf = jnp.sum(q * jax.lax.stop_gradient(k_sf), axis=-1, keepdims=True)
    l_neg = jnp.matmul(q, jax.lax.stop_gradient(memory).T)
    l_pos_df1 = jnp.sum(q * jax.lax.stop_gradient(k_df1), axis=-1, keepdims=True)
    l_pos_df2 = jnp.sum(q * jax.lax.stop_gradient(k_df2), axis=-1, keepdims=True)
    pos = jnp.concatenate([l_pos_sf, l_pos_df1, l_pos_df2], axis=0)
    out = jnp.concatenate([pos, jnp.tile(l_neg, (3, 1))], axis=1)
    out = out / temperature

    # buffer update (functionalized): index_copy_ -> scatter-overwrite
    k_all = jnp.concatenate([k_all_sf, k_all_df1, k_all_df2], axis=0)
    all_size = k_all.shape[0]
    out_ids = jnp.mod(jnp.arange(all_size, dtype=jnp.int64 if jax.config.read('jax_enable_x64') else jnp.int32) + index, queue_size)
    new_memory = memory.at[out_ids].set(jax.lax.stop_gradient(k_all))

    return (out, l_pos_sf, new_memory)

if __name__ == "__main__":
    import jax
    _d = setup_inputs()
    print(jax.jit(kernel)(*tuple(_d.values())))

</pallas_src>

<mosaic_0001>
module attributes {stable_mosaic.version = 14 : i64} {
  func.func @_body(%arg0: i32, %arg1: memref<1024x256xf32, #tpu.memory_space<vmem>>, %arg2: memref<1024x256xf32, #tpu.memory_space<vmem>>, %arg3: memref<1024x256xf32, #tpu.memory_space<vmem>>, %arg4: memref<1024x256xf32, #tpu.memory_space<vmem>>, %arg5: memref<1024x256xf32, #tpu.memory_space<vmem>>, %arg6: memref<1024x256xf32, #tpu.memory_space<vmem>>, %arg7: memref<1024x256xf32, #tpu.memory_space<vmem>>, %arg8: memref<1024x256xf32, #tpu.memory_space<vmem>>, %arg9: memref<1024x1024xf32, #tpu.memory_space<vmem>>, %arg10: memref<1024x1xf32, #tpu.memory_space<vmem>>, %arg11: memref<2048x1xf32, #tpu.memory_space<vmem>>, %arg12: memref<1024x256xf32, #tpu.memory_space<vmem>>, %arg13: memref<1x256xf32, #tpu.memory_space<vmem>>) attributes {dimension_semantics = [#tpu.dimension_semantics<arbitrary>], iteration_bounds = array<i64: 17>, scalar_prefetch = 0 : i64, scratch_operands = 1 : i64, tpu.core_type = #tpu.core_type<tc>, window_params = [{pipeline_mode = #tpu.pipeline_mode<synchronous>, transform_indices = @transform_0, window_bounds = array<i64: 1024, 256>}, {transform_indices = @transform_1, window_bounds = array<i64: 1024, 256>}, {pipeline_mode = #tpu.pipeline_mode<synchronous>, transform_indices = @transform_2, window_bounds = array<i64: 1024, 256>}, {pipeline_mode = #tpu.pipeline_mode<synchronous>, transform_indices = @transform_3, window_bounds = array<i64: 1024, 256>}, {pipeline_mode = #tpu.pipeline_mode<synchronous>, transform_indices = @transform_4, window_bounds = array<i64: 1024, 256>}, {pipeline_mode = #tpu.pipeline_mode<synchronous>, transform_indices = @transform_5, window_bounds = array<i64: 1024, 256>}, {pipeline_mode = #tpu.pipeline_mode<synchronous>, transform_indices = @transform_6, window_bounds = array<i64: 1024, 256>}, {pipeline_mode = #tpu.pipeline_mode<synchronous>, transform_indices = @transform_7, window_bounds = array<i64: 1024, 256>}, {transform_indices = @transform_8, window_bounds = array<i64: 1024, 1024>}, {pipeline_mode = #tpu.pipeline_mode<synchronous>, transform_indices = @transform_9, window_bounds = array<i64: 1024, 1>}, {pipeline_mode = #tpu.pipeline_mode<synchronous>, transform_indices = @transform_10, window_bounds = array<i64: 2048, 1>}, {transform_indices = @transform_11, window_bounds = array<i64: 1024, 256>}]} {
    %get3A = arith.constant 0 : index
    %get3A_0 = arith.constant 0 : index
    %get3A_1 = vector.load %arg1[%get3A, %get3A_0] : memref<1024x256xf32, #tpu.memory_space<vmem>>, vector<1024x256xf32>
    %get3A_2 = arith.constant 0 : index
    %get3A_3 = arith.constant 0 : index
    %get3A_4 = vector.load %arg2[%get3A_2, %get3A_3] : memref<1024x256xf32, #tpu.memory_space<vmem>>, vector<1024x256xf32>
    %eq3A = arith.constant 0 : i32
    %eq3A_5 = arith.cmpi eq, %arg0, %eq3A : i32
    %broadcast_in_dim3A = arith.constant 0.000000e+00 : f32
    %broadcast_in_dim3A_6 = vector.broadcast %broadcast_in_dim3A : f32 to vector<1x256xf32>
    %get3A_7 = arith.constant 0 : index
    %get3A_8 = arith.constant 0 : index
    %get3A_9 = vector.load %arg13[%get3A_7, %get3A_8] : memref<1x256xf32, #tpu.memory_space<vmem>>, vector<1x256xf32>
    %select_n3A = arith.select %eq3A_5, %broadcast_in_dim3A_6, %get3A_9 : vector<1x256xf32>
    %slice3A = vector.extract_strided_slice %get3A_4 {offsets = [0, 0], sizes = [1023, 256], strides = [1, 1]} : vector<1024x256xf32> to vector<1023x256xf32>
    %concatenate3A = tpu.concatenate %select_n3A, %slice3A in 0 : vector<1x256xf32>, vector<1023x256xf32> -> vector<1024x256xf32>
    %slice3A_10 = vector.extract_strided_slice %get3A_4 {offsets = [1023, 0], sizes = [1, 256], strides = [1, 1]} : vector<1024x256xf32> to vector<1x256xf32>
    %swap3A = arith.constant 0 : index
    %swap3A_11 = arith.constant 0 : index
    %swap3A_12 = vector.load %arg13[%swap3A, %swap3A_11] : memref<1x256xf32, #tpu.memory_space<vmem>>, vector<1x256xf32>
    tpu.vector_store %arg13[%swap3A, %swap3A_11], %slice3A_10 {strides = array<i32>} : memref<1x256xf32, #tpu.memory_space<vmem>>, vector<1x256xf32>,
    %dot_general3A = arith.constant dense<0.000000e+00> : vector<1024x1024xf32>
    %dot_general3A_13 = tpu.matmul %get3A_1, %concatenate3A, %dot_general3A {dimension_numbers = #tpu.dot_dimension_numbers<[1], [1], [0], [0], [0, 0, 1, 0], [], []>, transpose_lhs_hint = false} : vector<1024x256xf32>, vector<1024x256xf32>, vector<1024x1024xf32> -> vector<1024x1024xf32>
    %mul3A = arith.constant 14.2857141 : f32
    %mul3A_14 = vector.broadcast %mul3A : f32 to vector<1024x1024xf32>
    %mul3A_15 = arith.mulf %dot_general3A_13, %mul3A_14 : vector<1024x1024xf32>
    %swap3A_16 = arith.constant 0 : index
    %swap3A_17 = arith.constant 0 : index
    %swap3A_18 = vector.load %arg9[%swap3A_16, %swap3A_17] : memref<1024x1024xf32, #tpu.memory_space<vmem>>, vector<1024x1024xf32>
    tpu.vector_store %arg9[%swap3A_16, %swap3A_17], %mul3A_15 {strides = array<i32>} : memref<1024x1024xf32, #tpu.memory_space<vmem>>, vector<1024x1024xf32>,
    %eq3A_19 = arith.constant 0 : i32
    %eq3A_20 = arith.cmpi eq, %arg0, %eq3A_19 : i32
    %convert_element_type3A = arith.extui %eq3A_20 : i1 to i32
    %cond3A = arith.constant 0 : i32
    %cond3A_21 = arith.cmpi ne, %convert_element_type3A, %cond3A : i32
    scf.if %cond3A_21 {
      %get3A_41 = arith.constant 0 : index
      %get3A_42 = arith.constant 0 : index
      %get3A_43 = vector.load %arg3[%get3A_41, %get3A_42] : memref<1024x256xf32, #tpu.memory_space<vmem>>, vector<1024x256xf32>
      %mul3A_44 = arith.mulf %get3A_1, %get3A_43 : vector<1024x256xf32>
      %reduce_sum3A = arith.constant dense<0.000000e+00> : vector<1024xf32>
      %reduce_sum3A_45 = vector.multi_reduction <add>, %mul3A_44, %reduce_sum3A [1] : vector<1024x256xf32> to vector<1024xf32>
      %broadcast_in_dim3A_46 = vector.shape_cast %reduce_sum3A_45 : vector<1024xf32> to vector<1024x1xf32>
      %get3A_47 = arith.constant 0 : index
      %get3A_48 = arith.constant 0 : index
      %get3A_49 = vector.load %arg4[%get3A_47, %get3A_48] : memref<1024x256xf32, #tpu.memory_space<vmem>>, vector<1024x256xf32>
      %mul3A_50 = arith.mulf %get3A_1, %get3A_49 : vector<1024x256xf32>
      %reduce_sum3A_51 = arith.constant dense<0.000000e+00> : vector<1024xf32>
      %reduce_sum3A_52 = vector.multi_reduction <add>, %mul3A_50, %reduce_sum3A_51 [1] : vector<1024x256xf32> to vector<1024xf32>
      %broadcast_in_dim3A_53 = vector.shape_cast %reduce_sum3A_52 : vector<1024xf32> to vector<1024x1xf32>
      %get3A_54 = arith.constant 0 : index
      %get3A_55 = arith.constant 0 : index
      %get3A_56 = vector.load %arg5[%get3A_54, %get3A_55] : memref<1024x256xf32, #tpu.memory_space<vmem>>, vector<1024x256xf32>
      %mul3A_57 = arith.mulf %get3A_1, %get3A_56 : vector<1024x256xf32>
      %reduce_sum3A_58 = arith.constant dense<0.000000e+00> : vector<1024xf32>
      %reduce_sum3A_59 = vector.multi_reduction <add>, %mul3A_57, %reduce_sum3A_58 [1] : vector<1024x256xf32> to vector<1024xf32>
      %broadcast_in_dim3A_60 = vector.shape_cast %reduce_sum3A_59 : vector<1024xf32> to vector<1024x1xf32>
      %swap3A_61 = arith.constant 0 : index
      %swap3A_62 = arith.constant 0 : index
      %swap3A_63 = vector.load %arg10[%swap3A_61, %swap3A_62] : memref<1024x1xf32, #tpu.memory_space<vmem>>, vector<1024x1xf32>
      tpu.vector_store %arg10[%swap3A_61, %swap3A_62], %broadcast_in_dim3A_46 {strides = array<i32>} : memref<1024x1xf32, #tpu.memory_space<vmem>>, vector<1024x1xf32>,
      %mul3A_64 = arith.constant 14.2857141 : f32
      %mul3A_65 = vector.broadcast %mul3A_64 : f32 to vector<1024x1xf32>
      %mul3A_66 = arith.mulf %broadcast_in_dim3A_46, %mul3A_65 : vector<1024x1xf32>
      %swap3A_67 = arith.constant 0 : index
      %swap3A_68 = arith.constant 0 : index
      %swap3A_69 = vector.load %arg9[%swap3A_67, %swap3A_68] : memref<1024x1024xf32, #tpu.memory_space<vmem>>, vector<1024x1xf32>
      tpu.vector_store %arg9[%swap3A_67, %swap3A_68], %mul3A_66 {strides = array<i32>} : memref<1024x1024xf32, #tpu.memory_space<vmem>>, vector<1024x1xf32>,
      %mul3A_70 = arith.constant 14.2857141 : f32
      %mul3A_71 = vector.broadcast %mul3A_70 : f32 to vector<1024x1xf32>
      %mul3A_72 = arith.mulf %broadcast_in_dim3A_53, %mul3A_71 : vector<1024x1xf32>
      %swap3A_73 = arith.constant 0 : index
      %swap3A_74 = arith.constant 0 : index
      %swap3A_75 = vector.load %arg11[%swap3A_73, %swap3A_74] : memref<2048x1xf32, #tpu.memory_space<vmem>>, vector<1024x1xf32>
      tpu.vector_store %arg11[%swap3A_73, %swap3A_74], %mul3A_72 {strides = array<i32>} : memref<2048x1xf32, #tpu.memory_space<vmem>>, vector<1024x1xf32>,
      %mul3A_76 = arith.constant 14.2857141 : f32
      %mul3A_77 = vector.broadcast %mul3A_76 : f32 to vector<1024x1xf32>
      %mul3A_78 = arith.mulf %broadcast_in_dim3A_60, %mul3A_77 : vector<1024x1xf32>
      %swap3A_79 = arith.constant 1024 : index
      %swap3A_80 = arith.constant 0 : index
      %swap3A_81 = vector.load %arg11[%swap3A_79, %swap3A_80] : memref<2048x1xf32, #tpu.memory_space<vmem>>, vector<1024x1xf32>
      tpu.vector_store %arg11[%swap3A_79, %swap3A_80], %mul3A_78 {strides = array<i32>} : memref<2048x1xf32, #tpu.memory_space<vmem>>, vector<1024x1xf32>,
    } else {
    }
    %eq3A_22 = arith.constant 0 : i32
    %eq3A_23 = arith.cmpi eq, %arg0, %eq3A_22 : i32
    %convert_element_type3A_24 = arith.extui %eq3A_23 : i1 to i32
    %cond3A_25 = arith.constant 0 : i32
    %cond3A_26 = arith.cmpi ne, %convert_element_type3A_24, %cond3A_25 : i32
    scf.if %cond3A_26 {
      %get3A_41 = arith.constant 0 : index
      %get3A_42 = arith.constant 0 : index
      %get3A_43 = vector.load %arg6[%get3A_41, %get3A_42] : memref<1024x256xf32, #tpu.memory_space<vmem>>, vector<1024x256xf32>
      %swap3A_44 = arith.constant 0 : index
      %swap3A_45 = arith.constant 0 : index
      %swap3A_46 = vector.load %arg12[%swap3A_44, %swap3A_45] : memref<1024x256xf32, #tpu.memory_space<vmem>>, vector<1024x256xf32>
      tpu.vector_store %arg12[%swap3A_44, %swap3A_45], %get3A_43 {strides = array<i32>} : memref<1024x256xf32, #tpu.memory_space<vmem>>, vector<1024x256xf32>,
    } else {
    }
    %eq3A_27 = arith.constant 1 : i32
    %eq3A_28 = arith.cmpi eq, %arg0, %eq3A_27 : i32
    %convert_element_type3A_29 = arith.extui %eq3A_28 : i1 to i32
    %cond3A_30 = arith.constant 0 : i32
    %cond3A_31 = arith.cmpi ne, %convert_element_type3A_29, %cond3A_30 : i32
    scf.if %cond3A_31 {
      %get3A_41 = arith.constant 0 : index
      %get3A_42 = arith.constant 0 : index
      %get3A_43 = vector.load %arg7[%get3A_41, %get3A_42] : memref<1024x256xf32, #tpu.memory_space<vmem>>, vector<1024x256xf32>
      %swap3A_44 = arith.constant 0 : index
      %swap3A_45 = arith.constant 0 : index
      %swap3A_46 = vector.load %arg12[%swap3A_44, %swap3A_45] : memref<1024x256xf32, #tpu.memory_space<vmem>>, vector<1024x256xf32>
      tpu.vector_store %arg12[%swap3A_44, %swap3A_45], %get3A_43 {strides = array<i32>} : memref<1024x256xf32, #tpu.memory_space<vmem>>, vector<1024x256xf32>,
    } else {
    }
    %eq3A_32 = arith.constant 2 : i32
    %eq3A_33 = arith.cmpi eq, %arg0, %eq3A_32 : i32
    %convert_element_type3A_34 = arith.extui %eq3A_33 : i1 to i32
    %cond3A_35 = arith.constant 0 : i32
    %cond3A_36 = arith.cmpi ne, %convert_element_type3A_34, %cond3A_35 : i32
    scf.if %cond3A_36 {
      %get3A_41 = arith.constant 0 : index
      %get3A_42 = arith.constant 0 : index
      %get3A_43 = vector.load %arg8[%get3A_41, %get3A_42] : memref<1024x256xf32, #tpu.memory_space<vmem>>, vector<1024x256xf32>
      %swap3A_44 = arith.constant 0 : index
      %swap3A_45 = arith.constant 0 : index
      %swap3A_46 = vector.load %arg12[%swap3A_44, %swap3A_45] : memref<1024x256xf32, #tpu.memory_space<vmem>>, vector<1024x256xf32>
      tpu.vector_store %arg12[%swap3A_44, %swap3A_45], %get3A_43 {strides = array<i32>} : memref<1024x256xf32, #tpu.memory_space<vmem>>, vector<1024x256xf32>,
    } else {
    }
    %ge3A = arith.constant 3 : i32
    %ge3A_37 = arith.cmpi sge, %arg0, %ge3A : i32
    %convert_element_type3A_38 = arith.extui %ge3A_37 : i1 to i32
    %cond3A_39 = arith.constant 0 : i32
    %cond3A_40 = arith.cmpi ne, %convert_element_type3A_38, %cond3A_39 : i32
    scf.if %cond3A_40 {
      %swap3A_41 = arith.constant 0 : index
      %swap3A_42 = arith.constant 0 : index
      %swap3A_43 = vector.load %arg12[%swap3A_41, %swap3A_42] : memref<1024x256xf32, #tpu.memory_space<vmem>>, vector<1024x256xf32>
      tpu.vector_store %arg12[%swap3A_41, %swap3A_42], %get3A_4 {strides = array<i32>} : memref<1024x256xf32, #tpu.memory_space<vmem>>, vector<1024x256xf32>,
    } else {
    }
    return
  }
  func.func @transform_0(%arg0: i32) -> (i32, i32) {
    %c0_i32 = arith.constant 0 : i32
    %c0_i32_0 = arith.constant 0 : i32
    %c0_i32_1 = arith.constant 0 : i32
    return %c0_i32, %c0_i32_0 : i32, i32
  }
  func.func @transform_1(%arg0: i32) -> (i32, i32) {
    %min3A = arith.constant 15 : i32
    %min3A_0 = arith.minsi %arg0, %min3A : i32
    %c0_i32 = arith.constant 0 : i32
    %c0_i32_1 = arith.constant 0 : i32
    return %min3A_0, %c0_i32 : i32, i32
  }
  func.func @transform_2(%arg0: i32) -> (i32, i32) {
    %c0_i32 = arith.constant 0 : i32
    %c0_i32_0 = arith.constant 0 : i32
    %c0_i32_1 = arith.constant 0 : i32
    return %c0_i32, %c0_i32_0 : i32, i32
  }
  func.func @transform_3(%arg0: i32) -> (i32, i32) {
    %c0_i32 = arith.constant 0 : i32
    %c0_i32_0 = arith.constant 0 : i32
    %c0_i32_1 = arith.constant 0 : i32
    return %c0_i32, %c0_i32_0 : i32, i32
  }
  func.func @transform_4(%arg0: i32) -> (i32, i32) {
    %c0_i32 = arith.constant 0 : i32
    %c0_i32_0 = arith.constant 0 : i32
    %c0_i32_1 = arith.constant 0 : i32
    return %c0_i32, %c0_i32_0 : i32, i32
  }
  func.func @transform_5(%arg0: i32) -> (i32, i32) {
    %c0_i32 = arith.constant 0 : i32
    %c0_i32_0 = arith.constant 0 : i32
    %c0_i32_1 = arith.constant 0 : i32
    return %c0_i32, %c0_i32_0 : i32, i32
  }
  func.func @transform_6(%arg0: i32) -> (i32, i32) {
    %c0_i32 = arith.constant 0 : i32
    %c0_i32_0 = arith.constant 0 : i32
    %c0_i32_1 = arith.constant 0 : i32
    return %c0_i32, %c0_i32_0 : i32, i32
  }
  func.func @transform_7(%arg0: i32) -> (i32, i32) {
    %c0_i32 = arith.constant 0 : i32
    %c0_i32_0 = arith.constant 0 : i32
    %c0_i32_1 = arith.constant 0 : i32
    return %c0_i32, %c0_i32_0 : i32, i32
  }
  func.func @transform_8(%arg0: i32) -> (i32, i32) {
    %c0_i32 = arith.constant 0 : i32
    %c0_i32_0 = arith.constant 0 : i32
    return %c0_i32, %arg0 : i32, i32
  }
  func.func @transform_9(%arg0: i32) -> (i32, i32) {
    %c0_i32 = arith.constant 0 : i32
    %c0_i32_0 = arith.constant 0 : i32
    %c0_i32_1 = arith.constant 0 : i32
    return %c0_i32, %c0_i32_0 : i32, i32
  }
  func.func @transform_10(%arg0: i32) -> (i32, i32) {
    %c0_i32 = arith.constant 0 : i32
    %c0_i32_0 = arith.constant 0 : i32
    %c0_i32_1 = arith.constant 0 : i32
    return %c0_i32, %c0_i32_0 : i32, i32
  }
  func.func @transform_11(%arg0: i32) -> (i32, i32) {
    %min3A = arith.constant 15 : i32
    %min3A_0 = arith.minsi %arg0, %min3A : i32
    %c0_i32 = arith.constant 0 : i32
    %c0_i32_1 = arith.constant 0 : i32
    return %min3A_0, %c0_i32 : i32, i32
  }
}

</mosaic_0001>

<sc_bundles>
// kernel: gather_offload_async_start
scs
__scs_entry_jumppad:
0x0: {  	(pc) =	sbr.rel $0x88, $3  }
0x1: {  	(tag) =	ssettag $0x0;
	lr =	simm.s32 $0x1  }
0x2: {  	[smem:$0x3F99] =	sst lr;
	_ =	strace $0xD0000000  }
0x3: {  	_ = 	snop  }
0x4: {  	_ = 	snop  }
0x5: {  	_ = 	snop  }
0x6: {  	_ = 	snop  }
0x7: {  	_ = 	snop  }
__scs_overlays_trampoline_lowered:
0x8: {  	[smem:$0x3FA8] =	sst s0  }
0x9: {  	[smem:$0x3FA9] =	sst s1  }
0xa: {  	[smem:$0x3FAA] =	sst s2  }
0xb: {  	[smem:$0x3FAB] =	sst s3  }
0xc: {  	[smem:$0x3FAC] =	sst s4  }
0xd: {  	[smem:$0x3FAD] =	sst s5  }
0xe: {  	[smem:$0x3FAE] =	sst s6  }
0xf: {  	[smem:$0x3FAF] =	sst s7  }
0x10: {  	[smem:$0x3FB0] =	sst s8  }
0x11: {  	[smem:$0x3FB1] =	sst s9;
	s0 =	simm.s32 @!p0 $0x0  }
0x12: {  	s1 =	sld [smem:$0x3F97];
	s0 =	simm.s32 @p0 $0x1  }
0x13: {  	[smem:$0x3FB2] =	sst s0;
	s0 =	simm.s32 @!p1 $0x0  }
0x14: {  	s2 =	sld [smem:$0x3F96];
	s0 =	simm.s32 @p1 $0x1  }
0x15: {  	[smem:$0x3FB3] =	sst s0;
	s0 =	simm.s32 @!p2 $0x0  }
0x16: {  	s3 =	sld [smem:$0x3FDB];
	s0 =	simm.s32 @p2 $0x1  }
0x17: {  	s4 =	simm.s32 $0x1BF5;
	[smem:$0x3FB5] =	sst s0  }
0x18: {  	s0 =	sld [smem:$0x3F98];
	_ =	swait.ge [sflag:s4], $0x0  }
0x19: {  	s7 =	sld [smem:$0x3F99]  }
0x1a: {  	s8 =	sadd.s32 $0xFFFFE003, lr  }
0x1b: {  	s9 =	sadd.s32 $0xFFFFFEF7, lr;
	s5 =	simm.s32 $0xFFFFFFFF;
	p2 =	slt.u32 s8, $0xFFFFF086  }
0x1c: {  	p1 =	slt.u32 s9, $0xF7A;
	s5 =	simm.s32 @!p2 $0x0  }
0x1d: {  	s5 =	simm.s32 @p1 $0x1;
	p0 =	seq.s32 s7, s2  }
0x1e: {  	s7 =	smul.u32 @!p0 $0xF7A, s2;
	p2 =	seq.s32 @!p0 s5, $0x0  }
0x1f: {  	s9 =	smul.u32 $0xF7A, s1;
	s8 =	simm.s32 @!p0 $0x1BF5;
	p2 =	por !p2, p0  }
0x20: {  	[sflag:s8] =	ssyncset.s32 @!p0 $0xFFFFF086;
	s6 =	sadd.s32 @!p0 s3, s7;
	s7 =	simm.s32 @!p0 $0x108  }
0x21: {  	s3 =	sadd.s32 s3, s9;
	s6 =	sadd.s32 @!p0 $0x88, s6;
	s7 =	simm.s32 @p2 $0x1082  }
0x22: {  	[simem:s7], [sflag:s8] =	dma.local @!p0 [hbm:s6], $0xF7A  }
0x23: {  	s9 =	sor.u32 $0xD0000000, s2;
	s6 =	simm.s32 $0x108;
	_ =	swait.ge @!p0 [sflag:s8], $0x0  }
0x24: {  	s3 =	sadd.s32 $0x88, s3;
	s6 =	simm.s32 @!p1 $0x1082;
	[sflag:s4] =	ssyncset.s32 $0xFFFFF086  }
0x25: {  	[simem:s6], [sflag:s4] =	dma.local [hbm:s3], $0xF7A  }
0x26: {  	[smem:$0x3F99] =	sst s1;
	(tag) =	ssettag s2;
	_ =	strace s9  }
0x27: {  	s1 =	sld [smem:$0x3FA9]  }
0x28: {  	s2 =	sld [smem:$0x3FAA]  }
0x29: {  	s4 =	sld [smem:$0x3FAC]  }
0x2a: {  	p0 =	seq.s32 s5, $0x0;
	s5 =	sld [smem:$0x3FAD]  }
0x2b: {  	s6 =	sld [smem:$0x3FAE]  }
0x2c: {  	s7 =	sld [smem:$0x3FAF]  }
0x2d: {  	s3 =	simm.s32 $0x108;
	s8 =	sld [smem:$0x3FB0]  }
0x2e: {  	s3 =	simm.s32 @!p0 $0x1082;
	s9 =	sld [smem:$0x3FB1]  }
0x2f: {  	lr =	sadd.s32 s0, s3;
	s0 =	sld [smem:$0x3FA8]  }
0x30: {  	s3 =	sld [smem:$0x3FAB]  }
0x31: {  	[smem:$0x3FB4] =	sst s10  }
0x32: {  	s10 =	sld [smem:$0x3FB2];
	_ =	sdelay $0x3  }
0x33: {  	p0 =	seq.s32 s10, $0x1;
	s10 =	sld [smem:$0x3FB4];
	_ =	sdelay $0x3  }
0x34: {  	[smem:$0x3FB4] =	sst s10  }
0x35: {  	s10 =	sld [smem:$0x3FB3];
	_ =	sdelay $0x3  }
0x36: {  	p1 =	seq.s32 s10, $0x1;
	s10 =	sld [smem:$0x3FB4];
	_ =	sdelay $0x3  }
0x37: {  	[smem:$0x3FB4] =	sst s10  }
0x38: {  	s10 =	sld [smem:$0x3FB5]  }
0x39: {  	_ = 	snop;
	(pc) =	sbr.ind lr, $3  }
0x3a: {  	_ = 	snop  }
0x3b: {  	_ = 	snop  }
0x3c: {  	p2 =	seq.s32 s10, $0x1;
	s10 =	sld [smem:$0x3FB4]  }
0x3d: {  	_ =	shalt  }
0x3e: {  	_ =	shalt  }
0x3f: {  	_ =	shalt  }
0x40: {  	_ =	shalt  }
0x41: {  	_ =	shalt  }
0x42: {  	_ =	shalt  }
0x43: {  	_ =	shalt  }
0x44: {  	_ =	shalt  }
0x45: {  	_ =	shalt  }
0x46: {  	_ =	shalt  }
0x47: {  	_ =	shalt  }
0x48: {  	_ =	shalt  }
0x49: {  	_ =	shalt  }
0x4a: {  	_ =	shalt  }
0x4b: {  	_ =	shalt  }
0x4c: {  	_ =	shalt  }
0x4d: {  	_ =	shalt  }
0x4e: {  	_ =	shalt  }
0x4f: {  	_ =	shalt  }
0x50: {  	_ =	shalt  }
0x51: {  	_ =	shalt  }
0x52: {  	_ =	shalt  }
0x53: {  	_ =	shalt  }
0x54: {  	_ =	shalt  }
0x55: {  	_ =	shalt  }
0x56: {  	_ =	shalt  }
0x57: {  	_ =	shalt  }
0x58: {  	_ =	shalt  }
0x59: {  	_ =	shalt  }
0x5a: {  	_ =	shalt  }
0x5b: {  	_ =	shalt  }
0x5c: {  	_ =	shalt  }
0x5d: {  	_ =	shalt  }
0x5e: {  	_ =	shalt  }
0x5f: {  	_ =	shalt  }
0x60: {  	_ =	shalt  }
0x61: {  	_ =	shalt  }
0x62: {  	_ =	shalt  }
0x63: {  	_ =	shalt  }
0x64: {  	_ =	shalt  }
0x65: {  	_ =	shalt  }
0x66: {  	_ =	shalt  }
0x67: {  	_ =	shalt  }
0x68: {  	_ =	shalt  }
0x69: {  	_ =	shalt  }
0x6a: {  	_ =	shalt  }
0x6b: {  	_ =	shalt  }
0x6c: {  	_ =	shalt  }
0x6d: {  	_ =	shalt  }
0x6e: {  	_ =	shalt  }
0x6f: {  	_ =	shalt  }
0x70: {  	_ =	shalt  }
0x71: {  	_ =	shalt  }
0x72: {  	_ =	shalt  }
0x73: {  	_ =	shalt  }
0x74: {  	_ =	shalt  }
0x75: {  	_ =	shalt  }
0x76: {  	_ =	shalt  }
0x77: {  	_ =	shalt  }
0x78: {  	_ =	shalt  }
0x79: {  	_ =	shalt  }
0x7a: {  	_ =	shalt  }
0x7b: {  	_ =	shalt  }
0x7c: {  	_ =	shalt  }
0x7d: {  	_ =	shalt  }
0x7e: {  	_ =	shalt  }
0x7f: {  	_ =	shalt  }
0x80: {  	_ =	shalt  }
0x81: {  	_ =	shalt  }
0x82: {  	_ =	shalt  }
0x83: {  	_ =	shalt  }
0x84: {  	_ =	shalt  }
0x85: {  	_ =	shalt  }
0x86: {  	_ =	shalt  }
0x87: {  	_ =	shalt  }
.Lfunc_end0:
.L_simem_size_0:
called_computation.1_lowered:
.L_overlay_start_0:
0x88: {  	s2 =	sld [smem:$0x3FD9]  }
0x89: {  	s3 =	sld [smem:$0x3FFE];
	_ =	sdelay $0x1  }
0x8a: {  	s1 =	srdreg.scid  }
0x8b: {  	s0 =	sand.u32 $0x1, s1  }
0x8c: {  	s14 =	sshll.u32 s0, $0xA;
	s2 =	sadd.s32 s3, s2  }
0x8d: {  	s2 =	sadd.s32 s2, s14  }
0x8e: {  	[smem:$0x3FC0] =	sst s2  }
0x8f: {  	_ = 	snop  }
0x90: {  	s2 =	sld [smem:$0x3FD0];
	_ =	sdelay $0x2  }
0x91: {  	s15 =	simm.s32 $0xA;
	s4 =	simm.s32 $0x10  }
0x92: {  	[smem:s4], [sflag:s15] =	dma.local [hbm:s2], $0x1  }
0x93: {  	_ =	swait.eq [sflag:s15], $0x1  }
0x94: {  	[sflag:s15] =	ssyncset.done $0x0  }
0x95: {  	[sflag:s15] =	ssyncadd.s32 $0xFFFFFFFF  }
0x96: {  	s16 =	sld [smem:$0x10];
	(tm) =	ssettm $0x1  }
0x97: {  	s17 =	sld [smem:$0x3FFB];
	_ =	sdelay $0x3  }
0x98: {  	_ =	strace s17  }
0x99: {  	s3 =	sld [smem:$0x3FFC];
	_ =	sdelay $0x3  }
0x9a: {  	_ =	strace s3  }
0x9b: {  	s3 =	sld [smem:$0x3FFD];
	_ =	sdelay $0x3  }
0x9c: {  	_ =	strace s3  }
0x9d: {  	_ =	strace $0x8FFFFFFF  }
0x9e: {  	s18 =	sld [smem:$0x3FDB];
	_ =	sdelay $0x1  }
0x9f: {  	s19 =	simm.s32 $_scs_section_size  }
0xa0: {  	s5 =	simm.s32 $_size__tile_overlayer_lowered;
	s6 =	simm.s32 $_tile_overlayer_lowered  }
0xa1: {  	s22 =	simm.s32 $0x1BFF;
	s21 =	sshll.u32 s6, $0x1;
	s3 =	sadd.s32 s19, s18  }
0xa2: {  	s7 =	simm.s32 $0x0;
	s20 =	sshll.u32 s5, $0x1;
	s5 =	sadd.s32 s21, s3  }
0xa3: {  	[timem:s7], [sflag:s22] =	dma.local [hbm:s5], s20  }
0xa4: {  	_ =	swait.ge [sflag:s22], s20  }
0xa5: {  	s4 =	ssub.s32 $0x0, s20;
	[sflag:s22] =	ssyncset.done $0x0  }
0xa6: {  	[sflag:s22] =	ssyncadd.s32 s4;
	_ =	sdelay $0x1  }
0xa7: {  	s23 =	simm.s32 $0x1B8B  }
0xa8: {  	_ =	swait.ge [sflag:s23], $0x1  }
0xa9: {  	[sflag:s23] =	ssyncset.done $0x0  }
0xaa: {  	s25 =	simm.s32 $0x1B8E;
	s24 =	sld [smem:$0x3FFE];
	[sflag:s23] =	ssyncadd.s32 $0xFFFFFFFF  }
0xab: {  	s26 =	simm.s32 $execute0_lowered;
	[smem:$0x3FD2] =	sst s25  }
0xac: {  	s5 =	sshll.u32 s26, $0x1;
	_ =	strace $0x80000046;
	[dreg:$0x1] =	wrdreg $0xFFFFFFFF  }
0xad: {  	s28 =	simm.s32 $_size_execute0_lowered;
	s3 =	sadd.s32 s3, s5;
	[dreg:$0x0] =	wrdreg $0x0  }
0xae: {  	s5 =	sshll.u32 s28, $0x1;
	[dreg:$0x2] =	wrdreg s3  }
0xaf: {  	[dreg:$0x3] =	wrdreg s5  }
0xb0: {  	[dreg:$0x4] =	wrdreg $0xC0  }
0xb1: {  	_ =	task [dreg:s7], $0x5FFFF  }
0xb2: {  	[dreg:$0x1] =	wrdreg $0xFFFFFFFF  }
0xb3: {  	[dreg:$0x0] =	wrdreg $0x60  }
0xb4: {  	[dreg:$0x2] =	wrdreg s16  }
0xb5: {  	[dreg:$0x3] =	wrdreg s24  }
0xb6: {  	[dreg:$0x4] =	wrdreg $0x9  }
0xb7: {  	_ =	task.clear_ibuf [dreg:s7], $0x5FFFF;
	_ =	strace $0x90000046  }
0xb8: {  	s29 =	simm.s32 $0x9;
	_ =	strace $0x80000048  }
0xb9: {  	_ =	swait.ge [sflag:s29], $0x1  }
0xba: {  	[sflag:s29] =	ssyncadd.s32 $0xFFFFFFFF  }
0xbb: {  	_ =	strace $0x90000048  }
0xbc: {  	_ =	sfence  }
0xbd: {  	s30 =	sld [smem:$0x0];
	_ =	sdelay $0x2  }
0xbe: {  	s31 =	sshll.u32 s1, $0xD;
	s1 =	sshrl.u32 s1, $0x2  }
0xbf: {  	s3 =	sand.u32 $0x4000, s31;
	s1 =	sadd.s32 s1, s30  }
0xc0: {  	s0 =	sor.u32 s3, s0;
	s1 =	sshll.u32 s1, $0x11  }
0xc1: {  	s0 =	sor.u32 s1, s0  }
0xc2: {  	s0 =	sadd.s32 $0x8F2B, s0  }
0xc3: {  	[sflag:s0] =	ssyncadd.remote.s32 $0x1  }
0xc4: {  	_ =	sfence.sel $0xFFFF  }
0xc5: {  	[dreg:$0x0] =	wrdreg $0xFFFFFFFF;
	(pc) =	sbr.abs _section_cstart, $3  }
0xc6: {  	[dreg:$0x1] =	wrdreg $0xFFFFFFFF  }
0xc7: {  	_ =	task.clear_ibuf [dreg:s7], $0x2FFFF;
	_ =	strace $0x9FFFFFFF  }
0xc8: {  	(tm) =	ssettm $0x7FFFFFFF  }
0xc9: {  	_ =	shalt  }
tec
execute0_lowered:
.L_overlay_start_1:
0x0: {  	(tag) =	ssettag $0x1  }
0x1: {  	s2 =	rddreg [dreg:$0x0];
	s0 =	srdreg.scid  }
0x2: {  	s6 =	rddreg [dreg:$0x1];
	s1 =	stileid.u32;
	s4 =	simm.s32 $0x1  }
0x3: {  	s7 =	simm.s32 $0x2;
	s9 =	simm.s32 $0x3;
	s13 =	simm.s32 $0x0  }
0x4: {  	p0 =	por $0x0, $0x0;
	s3 =	sshll.u32 s0, $0x4;
	s0 =	rddreg [dreg:$0x2]  }
.Ltmp0:
0x5: {  	_ =	strace $0x80000047;
	s3 =	sand.u32 $0x10, s3;
	(pc) =	sbr.rel .LBB2_1-.Ltmp0, $4  }
0x6: {  	s12 =	simm.s32 $0x0;
	[sflag:s4] =	ssyncpa.u1 $0x0;
	s5 =	sor.u32 s1, s3  }
0x7: {  	s10 =	simm.s32 $0x0;
	[sflag:s7] =	ssyncpa.u1 $0x0;
	s5 =	smul.u32 $0x60, s5  }
0x8: {  	s3 =	sadd.s32 $0x2000, s6;
	s6 =	sadd.s32 $0xE200, s6;
	[sflag:s9] =	ssyncpa.u1 $0x0  }
0x9: {  	vm0 =	vmmov $0xff;
	s9 =	simm.s32 $0x0;
	s8 =	sadd.s32 $0x60, s5;
	s11 =	smov.u32 s5  }
.LBB2_4:
0xa: {  	_ =	sdelay $0x3  }
0xb: {  	[tilespmem:s17], [sflag:$0x1] =	stream.indirect_vreg.gather [hbm:s2], $0x80, v0, vm0, $0x38;
	[tilespmem:$0x15810] =	vst v63  }
0xc: {  	s15 =	sshrl.u32 s12, $0x3  }
0xd: {  	s15 =	smul.u32 $0x4080, s15  }
0xe: {  	s31 =	sshll.u32 s12, $0x4;
	s14 =	sadd.s32 s6, s14;
	_ =	swait.ge [sflag:s4], $0xAC00  }
0xf: {  	s12 =	sand.u32 $0x70, s31;
	[sflag:s4] =	ssyncset.done $0x0;
	s14 =	sadd.s32 s15, s14  }
0x10: {  	[sflag:s4] =	ssyncadd.s32 $0xFFFF5400;
	s12 =	sadd.s32 s12, s14  }
0x11: {  	[hbm:s12] =	stream.linear.scatter [tilespmem:s13], [sflag:$0x3], $0xAC00, $0x38;
	[tilespmem:$0x15810] =	vst v63  }
.LBB2_5:
0x12: {  	s14 =	sadd.s32 $0x1580, s10;
	s12 =	sadd.s32 $0x8, s11;
	s13 =	smov.u32 s11  }
0x13: {  	p2 =	slt.u32 s9, $0x2;
	s9 =	sadd.s32 $0x1, s9;
	p1 =	sgt.s32 s14, $0x407F  }
0x14: {  	s13 =	smov.u32 @p1 s12;
	s14 =	simm.s32 @p1 $0x0;
	p1 =	sne.s32 s9, $0x26  }
.Ltmp1:
0x15: {  	_ = 	snop;
	(pc) =	sbr.rel @!p1 .LBB2_6-.Ltmp1, $4  }
0x16: {  	s16 =	smov.u32 s5;
	p0 =	por !p0, !p0;
	s15 =	simm.s32 @!p2 $0x3  }
0x17: {  	_ =	swait.ge @!p2 [sflag:s15], $0xAC00;
	s12 =	smov.u32 s11;
	p3 =	slt.s32 s13, s8  }
0x18: {  	[sflag:s15] =	ssyncset.done @!p2 $0x0;
	s16 =	smov.u32 @p3 s13;
	s13 =	smov.u32 s10  }
0x19: {  	[sflag:s15] =	ssyncadd.s32 @!p2 $0xFFFF5400;
	s10 =	smov.u32 s14;
	s11 =	smov.u32 s16  }
.LBB2_1:
0x1a: {  	p1 =	sgt.u32 s9, $0x23  }
0x1b: {  	s14 =	sxor.u32 @!p1 $0xFFFFFFFF, s9  }
0x1c: {  	s31 =	sadd.s32 $0xFFFFFFFF, s9;
	s15 =	sshrl.u32 @!p1 s11, $0x3;
	s14 =	sshll.u32 @!p1 s14, $0x3  }
0x1d: {  	s16 =	sand.u32 @!p1 $0x7, s11;
	s15 =	sadd.s32 @!p1 s3, s15;
	s14 =	sand.u32 @!p1 $0x8, s14  }
0x1e: {  	[tilespmem:s14], [sflag:$0x2] =	stream.linear.gather @!p1 [hbm4b:s15+s16], $0x8, $0x38;
	[tilespmem:$0x15810] =	vst v63  }
0x1f: {  	p1 =	sgt.u32 s31, $0x23  }
.Ltmp2:
0x20: {  	_ = 	snop;
	(pc) =	sbr.rel @p1 .LBB2_5-.Ltmp2, $1  }
0x21: {  	_ =	sdelay $0x3  }
0x22: {  	_ =	swait.ge [sflag:s7], $0x8  }
0x23: {  	s14 =	sand.u32 $0x1, s9;
	[sflag:s7] =	ssyncset.done $0x0  }
0x24: {  	s15 =	sshll.u32 s14, $0x3;
	[sflag:s7] =	ssyncadd.s32 $0xFFFFFFF8  }
0x25: {  	v0 =	vld.msk [tilespmem:s15+$0x0 ss:$0x1], $0xff;
	_ =	sdelay $0x4  }
0x26: {  	vm1 =	vgt.s32 v0, $0x0  }
0x27: {  	v0 =	vnsel vm1, $0x0, v0  }
0x28: {  	v0 =	vmin.u32 v0, $0x3FF  }
0x29: {  	v1 =	vshrl.u32 v0, $0x3  }
0x2a: {  	v0 =	vshll.u32 v0, $0x7;
	v1 =	vmul.u32 $0x20400, v1  }
0x2b: {  	v0 =	vand.u32 $0x380, v0  }
0x2c: {  	s15 =	simm.s32 $0x1;
	v0 =	vor.u32 v0, v1  }
0x2d: {  	s16 =	smul.u32 $0x2B000, s14;
	s14 =	sand.u32 $0xFFFFFF80, s13;
	s15 =	simm.s32 @!p0 $0x0;
	v0 =	vshrl.u32 v0, $0x3  }
0x2e: {  	s15 =	smul.u32 $0x2B000, s15;
	v0 =	vadd.s32 s14, v0;
	_ =	sdelay $0x1  }
0x2f: {  	s30 =	sshrl.u32 s15, $0x2  }
0x30: {  	s31 =	sshrl.u32 s16, $0x2;
	s15 =	sor.u32 $0x10, s30  }
0x31: {  	s16 =	simm.s32 $0x1000;
	s13 =	sor.u32 $0x10, s31;
	s17 =	sadd.s32 $0x0, s15  }
.LBB2_3:
0x32: {  	[tilespmem:s17], [sflag:$0x1] =	stream.indirect_vreg.gather [hbm:s2], $0x80, v0, vm0, $0x38;
	[tilespmem:$0x15810] =	vst v63  }
0x33: {  	v0 =	vadd.s32 $0x80, v0;
	s17 =	smov.u32 s16;
	p1 =	sne.s32 s16, $0x2A000  }
.Ltmp3:
0x34: {  	s16 =	sadd.s32 $0x1000, s16;
	(pc) =	sbr.rel @p1 .LBB2_3-.Ltmp3, $3  }
0x35: {  	_ =	sdelay $0x1  }
0x36: {  	s17 =	sshra.s32 s17, $0x2  }
0x37: {  	s17 =	sadd.s32 s17, s15  }
.Ltmp4:
0x38: {  	_ = 	snop;
	(pc) =	sbr.rel .LBB2_4-.Ltmp4, $1  }
0x39: {  	_ =	sdelay $0x3  }
.LBB2_6:
0x3a: {  	_ =	sfence.sel $0x180000  }
0x3b: {  	s2 =	simm.s32 $0x2;
	[bflag:$0x0] =	sbarrier.arrive $0xFFFF  }
0x3c: {  	s30 =	simm.s32 $0x3;
	[sflag:s2] =	ssyncpa.u1 $0x1  }
0x3d: {  	s31 =	simm.s32 $0x1;
	[sflag:s30] =	ssyncpa.u1 $0x1  }
0x3e: {  	[sflag:s31] =	ssyncpa.u1 $0x1  }
0x3f: {  	p0 =	sne.s32 s1, $0x0;
	_ =	strace $0x90000047  }
0x40: {  	s0 =	sadd.s32 @!p0 $0x100000, s0;
	[bflag:$0x2] =	sbarrier.arrive $0xFFFF  }
0x41: {  	[sflag:s0] =	ssyncadd.tile.s32 @!p0 $0x1;
	_ =	shalt  }
.Lfunc_end2:
_tile_overlayer_lowered:
.L_overlay_start_2:
0x42: {  	(tag) =	ssettag $0x2  }
0x43: {  	s0 =	rddreg [dreg:$0x0];
	s2 =	stileid.u32  }
0x44: {  	s1 =	rddreg [dreg:$0x1];
	p0 =	sne.s32 s2, $0x0  }
0x45: {  	s3 =	rddreg [dreg:$0x2];
	[bflag:$0x3] =	sbarrier.arrive $0xFFFF;
	s2 =	simm.s32 @!p0 $0x1C01  }
0x46: {  	[timem:s3], [sflag:s2] =	dma.local @!p0 [hbm:s0], s1  }
0x47: {  	s0 =	simm.s32 @!p0 $0x1  }
0x48: {  	_ =	swait.ge @!p0 [sflag:s0], s1  }
0x49: {  	s1 =	ssub.s32 @!p0 $0x0, s1;
	[sflag:s0] =	ssyncset.done @!p0 $0x0  }
0x4a: {  	[sflag:s0] =	ssyncadd.s32 @!p0 s1  }
0x4b: {  	[bflag:$0x3] =	sbarrier.arrive $0xFFFF  }
0x4c: {  	_ =	shalt  }

// kernel: sparse-core-data-format-call.cloned.1.call-start
scs
called_computation_lowered:
.L_overlay_start_0:
0x0: {  	s2 =	sld [smem:$0x3FD9]  }
0x1: {  	s3 =	sld [smem:$0x3FFE];
	_ =	sdelay $0x1  }
0x2: {  	s1 =	srdreg.scid  }
0x3: {  	s0 =	sand.u32 $0x1, s1  }
0x4: {  	s15 =	sshll.u32 s0, $0xA;
	s2 =	sadd.s32 s3, s2  }
0x5: {  	s2 =	sadd.s32 s2, s15  }
0x6: {  	[smem:$0x3FC0] =	sst s2  }
0x7: {  	_ = 	snop  }
0x8: {  	s2 =	sld [smem:$0x3FD0];
	_ =	sdelay $0x2  }
0x9: {  	s16 =	simm.s32 $0xA;
	s4 =	simm.s32 $0x10  }
0xa: {  	[smem:s4], [sflag:s16] =	dma.local [hbm:s2], $0x1  }
0xb: {  	_ =	swait.eq [sflag:s16], $0x1  }
0xc: {  	[sflag:s16] =	ssyncset.done $0x0  }
0xd: {  	[sflag:s16] =	ssyncadd.s32 $0xFFFFFFFF  }
0xe: {  	s17 =	sld [smem:$0x10];
	(tm) =	ssettm $0x1  }
0xf: {  	s18 =	sld [smem:$0x3FFB];
	_ =	sdelay $0x3  }
0x10: {  	_ =	strace s18  }
0x11: {  	s3 =	sld [smem:$0x3FFC];
	_ =	sdelay $0x3  }
0x12: {  	_ =	strace s3  }
0x13: {  	s3 =	sld [smem:$0x3FFD];
	_ =	sdelay $0x3  }
0x14: {  	_ =	strace s3  }
0x15: {  	_ =	strace $0x8FFFFFFF  }
0x16: {  	s19 =	sld [smem:$0x3FDB];
	_ =	sdelay $0x1  }
0x17: {  	s20 =	simm.s32 $_scs_section_size  }
0x18: {  	s5 =	simm.s32 $_size__tile_overlayer_lowered;
	s6 =	simm.s32 $_tile_overlayer_lowered  }
0x19: {  	s23 =	simm.s32 $0x1BFF;
	s22 =	sshll.u32 s6, $0x1;
	s3 =	sadd.s32 s20, s19  }
0x1a: {  	s7 =	simm.s32 $0x0;
	s21 =	sshll.u32 s5, $0x1;
	s5 =	sadd.s32 s22, s3  }
0x1b: {  	[timem:s7], [sflag:s23] =	dma.local [hbm:s5], s21  }
0x1c: {  	_ =	swait.ge [sflag:s23], s21  }
0x1d: {  	s4 =	ssub.s32 $0x0, s21;
	[sflag:s23] =	ssyncset.done $0x0  }
0x1e: {  	[sflag:s23] =	ssyncadd.s32 s4;
	_ =	sdelay $0x1  }
0x1f: {  	s24 =	simm.s32 $0x1B8B  }
0x20: {  	_ =	swait.ge [sflag:s24], $0x1  }
0x21: {  	[sflag:s24] =	ssyncset.done $0x0  }
0x22: {  	s26 =	simm.s32 $0x1B8E;
	s25 =	sld [smem:$0x3FFE];
	[sflag:s24] =	ssyncadd.s32 $0xFFFFFFFF  }
0x23: {  	s27 =	simm.s32 $execute0_lowered;
	[smem:$0x3FD2] =	sst s26  }
0x24: {  	s5 =	sshll.u32 s27, $0x1;
	_ =	strace $0x80000049;
	[dreg:$0x1] =	wrdreg $0xFFFFFFFF  }
0x25: {  	s28 =	simm.s32 $_size_execute0_lowered;
	s3 =	sadd.s32 s3, s5;
	[dreg:$0x0] =	wrdreg $0x0  }
0x26: {  	s5 =	sshll.u32 s28, $0x1;
	[dreg:$0x2] =	wrdreg s3  }
0x27: {  	[dreg:$0x3] =	wrdreg s5  }
0x28: {  	[dreg:$0x4] =	wrdreg $0xC0  }
0x29: {  	_ =	task [dreg:s7], $0x5FFFF  }
0x2a: {  	[dreg:$0x1] =	wrdreg $0xFFFFFFFF  }
0x2b: {  	[dreg:$0x0] =	wrdreg $0x60  }
0x2c: {  	[dreg:$0x2] =	wrdreg s25  }
0x2d: {  	[dreg:$0x3] =	wrdreg s17  }
0x2e: {  	[dreg:$0x4] =	wrdreg $0x9  }
0x2f: {  	_ =	task.clear_ibuf [dreg:s7], $0x5FFFF;
	_ =	strace $0x90000049  }
0x30: {  	s29 =	simm.s32 $0x9;
	_ =	strace $0x8000004B  }
0x31: {  	_ =	swait.ge [sflag:s29], $0x1  }
0x32: {  	[sflag:s29] =	ssyncadd.s32 $0xFFFFFFFF  }
0x33: {  	_ =	strace $0x9000004B  }
0x34: {  	_ =	sfence  }
0x35: {  	s30 =	sld [smem:$0x0];
	_ =	sdelay $0x2  }
0x36: {  	s31 =	sshll.u32 s1, $0xD;
	s1 =	sshrl.u32 s1, $0x2  }
0x37: {  	s3 =	sand.u32 $0x4000, s31;
	s1 =	sadd.s32 s1, s30  }
0x38: {  	s0 =	sor.u32 s3, s0;
	s1 =	sshll.u32 s1, $0x11  }
0x39: {  	s0 =	sor.u32 s1, s0  }
0x3a: {  	s0 =	sadd.s32 $0x8F2B, s0  }
0x3b: {  	[sflag:s0] =	ssyncadd.remote.s32 $0x1  }
0x3c: {  	_ =	sfence.sel $0xFFFF  }
0x3d: {  	[dreg:$0x0] =	wrdreg $0xFFFFFFFF;
	(pc) =	sbr.abs _section_cstart, $3  }
0x3e: {  	[dreg:$0x1] =	wrdreg $0xFFFFFFFF  }
0x3f: {  	_ =	task.clear_ibuf [dreg:s7], $0x2FFFF;
	_ =	strace $0x9FFFFFFF  }
0x40: {  	(tm) =	ssettm $0x7FFFFFFF  }
0x41: {  	_ =	shalt  }
tec
execute0_lowered:
.L_overlay_start_1:
0x0: {  	(tag) =	ssettag $0x1  }
0x1: {  	s5 =	rddreg [dreg:$0x0]  }
0x2: {  	s0 =	srdreg.scid;
	s3 =	rddreg [dreg:$0x1]  }
0x3: {  	s31 =	simm.s32 $0x2;
	s15 =	simm.s32 $0x0;
	s1 =	sshll.u32 s0, $0x4  }
0x4: {  	p0 =	por $0x0, $0x0;
	s0 =	stileid.u32;
	s1 =	sand.u32 $0x10, s1  }
0x5: {  	s8 =	simm.s32 $0x6000;
	s14 =	simm.s32 $0x0;
	s1 =	sor.u32 s0, s1  }
0x6: {  	s9 =	simm.s32 $0x0;
	s10 =	simm.s32 $0x0;
	s2 =	sshll.u32 s1, $0x7  }
.Ltmp0:
0x7: {  	s12 =	simm.s32 $0x0;
	s4 =	ssub.s32 $0x4000, s2;
	(pc) =	sbr.rel .LBB1_1-.Ltmp0, $4  }
0x8: {  	s13 =	simm.s32 $0x0;
	s1 =	rddreg [dreg:$0x2];
	s6 =	sshrl.u32 s4, $0xC  }
0x9: {  	_ =	strace $0x8000004A;
	s4 =	simm.s32 $0x1;
	s7 =	smul.u32 $0x18, s6  }
0xa: {  	s5 =	sadd.s32 $0x61A200, s5;
	s11 =	smov.u32 s2;
	[sflag:s4] =	ssyncpa.u1 $0x0  }
0xb: {  	[sflag:s31] =	ssyncpa.u1 $0x0;
	s6 =	sadd.s32 $0x18, s7;
	s7 =	sadd.s32 $0x19, s7  }
.LBB1_5:
0xc: {  	p1 =	slt.u32 s13, $0x2  }
0xd: {  	s17 =	smov.u32 s15;
	p2 =	sgt.s32 @!p1 s15, $0x3F88;
	s16 =	sshra.s32 @!p1 s15, $0x1F  }
0xe: {  	p3 =	sgt.s32 @!p1 s14, $0xB80;
	s18 =	sshra.s32 @!p1 s14, $0x1F;
	p2 =	por !p2, p1  }
0xf: {  	s15 =	sand.u32 @!p1 s16, s15;
	p3 =	por !p3, p1;
	s16 =	smov.u32 s14  }
0x10: {  	s14 =	sand.u32 @!p1 s18, s14;
	s17 =	simm.s32 @p2 $0x3F88;
	s16 =	simm.s32 @p3 $0xB80  }
0x11: {  	s15 =	ssub.s32 @!p1 s17, s15;
	s14 =	ssub.s32 @!p1 s16, s14  }
0x12: {  	s18 =	smov.u32 s12;
	s16 =	sadd.s32 @!p1 $0xFFFFC078, s15;
	s17 =	sadd.s32 @!p1 $0xFFFFF480, s14  }
0x13: {  	s15 =	ssub.s32 @!p1 $0x4008, s15;
	p2 =	sgt.s32 @!p1 s16, $0x7F;
	p3 =	sgt.s32 @!p1 s17, $0x7F  }
0x14: {  	s14 =	ssub.s32 @!p1 $0xC00, s14;
	p2 =	por !p2, p1;
	p3 =	por !p3, p1  }
0x15: {  	s16 =	sadd.s32 $0x1000, s11;
	s15 =	simm.s32 @!p2 $0x0;
	s14 =	simm.s32 @!p3 $0x0  }
0x16: {  	p2 =	sgt.s32 s16, $0x4000;
	s14 =	smul.u32 @!p1 s14, s15;
	s15 =	sadd.s32 $0x80, s12  }
0x17: {  	s18 =	smov.u32 @p2 s15  }
0x18: {  	s16 =	smov.u32 @p2 s2;
	p2 =	sgt.s32 s18, $0xBFF  }
0x19: {  	s18 =	simm.s32 @p2 $0x0;
	p2 =	sne.s32 s13, s7  }
.Ltmp1:
0x1a: {  	p0 =	por !p0, !p0;
	s17 =	simm.s32 @!p1 $0x2;
	(pc) =	sbr.rel @!p2 .LBB1_6-.Ltmp1, $4  }
0x1b: {  	s15 =	smov.u32 s9;
	s9 =	smov.u32 s11;
	s14 =	sand.u32 @!p1 $0x3FFFFFFF, s14  }
0x1c: {  	s11 =	smov.u32 s16;
	_ =	swait.ge @!p1 [sflag:s17], s14;
	s19 =	ssub.s32 @!p1 $0x0, s14  }
0x1d: {  	s14 =	smov.u32 s10;
	s13 =	sadd.s32 $0x1, s13;
	[sflag:s17] =	ssyncset.done @!p1 $0x0  }
0x1e: {  	s10 =	smov.u32 s12;
	s12 =	smov.u32 s18;
	[sflag:s17] =	ssyncadd.s32 @!p1 s19  }
.LBB1_1:
0x1f: {  	p1 =	sge.u32 s13, s6  }
0x20: {  	s16 =	sshrl.u32 @!p1 s12, $0x3  }
0x21: {  	s17 =	sshll.u32 @!p1 s11, $0x3;
	s16 =	smul.u32 @!p1 $0x20400, s16  }
0x22: {  	s18 =	sshll.u32 @!p1 s12, $0x7;
	s17 =	sand.u32 @!p1 $0xFFFFFC00, s17  }
0x23: {  	s16 =	sadd.s32 @!p1 s16, s17;
	s17 =	sand.u32 @!p1 $0x380, s18  }
0x24: {  	s18 =	sand.u32 @!p1 $0x7F, s11;
	s16 =	sor.u32 @!p1 s17, s16  }
0x25: {  	s17 =	sor.u32 @!p1 s18, s16;
	s16 =	smulhi.u32 @!p1 $0xFE03F81, s16  }
0x26: {  	s18 =	smulhi.u32 @!p1 $0xFE03F81, s17  }
0x27: {  	s16 =	sshrl.u32 @!p1 s16, $0xA  }
0x28: {  	s18 =	sshrl.u32 @!p1 s18, $0xA;
	s19 =	smulhi.u32 @!p1 $0x155556, s16  }
0x29: {  	s18 =	smul.u32 @!p1 $0x4080, s18  }
0x2a: {  	s19 =	smul.u32 @!p1 $0xC00, s19  }
0x2b: {  	s20 =	sxor.u32 @!p1 $0xFFFFFFFF, s13  }
0x2c: {  	s17 =	ssub.s32 @!p1 s17, s18;
	s18 =	sshll.u32 @!p1 s20, $0xE;
	s16 =	ssub.s32 @!p1 s16, s19  }
0x2d: {  	s19 =	sshrl.u32 @!p1 s17, $0x3;
	s17 =	sand.u32 @!p1 $0x7, s17;
	s16 =	smul.u32 @!p1 $0x810, s16  }
0x2e: {  	s18 =	sand.u32 @!p1 $0x4000, s18;
	s19 =	sadd.s32 @!p1 s5, s19;
	s17 =	sshll.u32 @!p1 s17, $0x12  }
0x2f: {  	s17 =	sor.u32 @!p1 $0x400, s17;
	s16 =	sadd.s32 @!p1 s16, s19;
	s19 =	simm.s32 @!p1 $0x20400  }
0x30: {  	[tilespmem:s18], [sflag:$0x1] =	stream.strided.gather @!p1 [hbm4b:s16+s17], $0x4000, s19, s17, $0x38;
	[tilespmem:$0x10100] =	vst v63  }
0x31: {  	p1 =	seq.s32 s13, $0x0  }
0x32: {  	p2 =	sge.u32 @!p1 s13, s7  }
0x33: {  	p1 =	por p1, p2  }
.Ltmp2:
0x34: {  	_ = 	snop;
	(pc) =	sbr.rel @p1 .LBB1_5-.Ltmp2, $1  }
0x35: {  	_ =	sdelay $0x3  }
0x36: {  	s16 =	simm.s32 $0x1  }
0x37: {  	_ =	swait.ge [sflag:s4], $0x4000;
	s16 =	simm.s32 @!p0 $0x0  }
0x38: {  	[sflag:s4] =	ssyncset.done $0x0;
	s17 =	sshll.u32 s16, $0xE  }
0x39: {  	[sflag:s4] =	ssyncadd.s32 $0xFFFFC000;
	s17 =	sor.u32 $0x40, s17  }
0x3a: {  	s16 =	smul.u32 $0x10200, s16;
	v0 =	vld [tilespmem:s17+$0x30]  }
0x3b: {  	v1 =	vld [tilespmem:s17+$0xFFFFFFD0]  }
0x3c: {  	s16 =	sshrl.u32 s16, $0x2;
	v5 =	vld [tilespmem:s17+$0xFFFFFFE0]  }
0x3d: {  	v6 =	vld [tilespmem:s17+$0xFFFFFFF0];
	s19 =	sor.u32 $0x8000, s16  }
0x3e: {  	s31 =	sand.u32 $0x1, s13;
	v4 =	vld [tilespmem:s17+$0x0];
	s18 =	sadd.s32 $0x0, s19  }
0x3f: {  	v3 =	vld [tilespmem:s17+$0x10];
	s16 =	smul.u32 $0x10200, s31;
	[tilespmem:s18+$0x3870 ss:$0x81] =	vst.msk $0xffff, v0  }
0x40: {  	v2 =	vld [tilespmem:s17+$0x20];
	[tilespmem:s18+$0x810 ss:$0x81] =	vst.msk $0xffff, v1  }
0x41: {  	s16 =	sshrl.u32 s16, $0x2;
	v0 =	vld [tilespmem:s17+$0xFFFFFFC0];
	[tilespmem:s18+$0x1020 ss:$0x81] =	vst.msk $0xffff, v5;
	s17 =	sadd.s32 $0x80, s17  }
0x42: {  	s20 =	simm.s32 $0x4;
	s21 =	simm.s32 $0x8;
	s16 =	sor.u32 $0x8000, s16;
	[tilespmem:s18+$0x1830 ss:$0x81] =	vst.msk $0xffff, v6;
	v1 =	vld [tilespmem:s17+$0x30]  }
.LBB1_3:
0x43: {  	p1 =	sne.s32 s21, $0x1FC;
	v5 =	vld [tilespmem:s17+$0xFFFFFFD0];
	[tilespmem:s18+$0x2040 ss:$0x81] =	vst.msk $0xffff, v4  }
0x44: {  	v6 =	vld [tilespmem:s17+$0xFFFFFFE0];
	[tilespmem:s18+$0x2850 ss:$0x81] =	vst.msk $0xffff, v3  }
0x45: {  	s22 =	sshra.s32 s20, $0x2;
	s20 =	smov.u32 s21;
	v7 =	vld [tilespmem:s17+$0xFFFFFFF0];
	[tilespmem:s18+$0x3060 ss:$0x81] =	vst.msk $0xffff, v2  }
.Ltmp3:
0x46: {  	v4 =	vld [tilespmem:s17+$0x0];
	[tilespmem:s18+$0x0 ss:$0x81] =	vst.msk $0xffff, v0;
	s18 =	sadd.s32 s22, s19;
	(pc) =	sbr.rel @p1 .LBB1_3-.Ltmp3, $4  }
0x47: {  	v3 =	vld [tilespmem:s17+$0x10];
	[tilespmem:s18+$0x3870 ss:$0x81] =	vst.msk $0xffff, v1  }
0x48: {  	[tilespmem:s18+$0x810 ss:$0x81] =	vst.msk $0xffff, v5;
	v2 =	vld [tilespmem:s17+$0x20]  }
0x49: {  	v0 =	vld [tilespmem:s17+$0xFFFFFFC0];
	[tilespmem:s18+$0x1020 ss:$0x81] =	vst.msk $0xffff, v6;
	s17 =	sadd.s32 $0x80, s17  }
0x4a: {  	s21 =	sadd.s32 $0x4, s21;
	v1 =	vld [tilespmem:s17+$0x30];
	[tilespmem:s18+$0x1830 ss:$0x81] =	vst.msk $0xffff, v7  }
0x4b: {  	s21 =	sshrl.u32 s9, $0x3  }
0x4c: {  	s22 =	sshll.u32 s10, $0x3;
	s23 =	sshll.u32 s9, $0x7;
	s24 =	sand.u32 $0x7F, s10  }
0x4d: {  	s20 =	sshra.s32 s20, $0x2;
	p1 =	sgt.s32 s9, $0x3F88;
	s25 =	sshra.s32 s9, $0x1F  }
0x4e: {  	s21 =	smul.u32 $0x6000, s21;
	s22 =	sand.u32 $0xFFFFFC00, s22;
	s23 =	sand.u32 $0x380, s23  }
0x4f: {  	s30 =	sor.u32 s24, s23;
	s23 =	smov.u32 s9;
	s24 =	sand.u32 s25, s9  }
0x50: {  	s25 =	sshra.s32 s10, $0x1F;
	s21 =	sadd.s32 s22, s21;
	s23 =	simm.s32 @!p1 $0x3F88  }
0x51: {  	v5 =	vld [tilespmem:s17+$0xFFFFFFD0];
	p1 =	sgt.s32 s10, $0xB80;
	s31 =	sor.u32 s21, s30;
	s21 =	smulhi.u32 $0xAAAAAAAB, s21  }
0x52: {  	[tilespmem:s18+$0x2040 ss:$0x81] =	vst.msk $0xffff, v4;
	v58 =	vld [tilespmem:s17+$0xFFFFFFE0];
	s25 =	sand.u32 s25, s10;
	s23 =	ssub.s32 s23, s24;
	s24 =	smov.u32 s10  }
0x53: {  	[tilespmem:s18+$0x2850 ss:$0x81] =	vst.msk $0xffff, v3;
	s22 =	smulhi.u32 $0xAAAAAAAB, s31;
	s24 =	simm.s32 @!p1 $0xB80;
	s21 =	sshrl.u32 s21, $0xB  }
0x54: {  	v59 =	vld [tilespmem:s17+$0xFFFFFFF0];
	[tilespmem:s18+$0x3060 ss:$0x81] =	vst.msk $0xffff, v2;
	s27 =	sadd.s32 $0xFFFFC078, s23;
	s24 =	ssub.s32 s24, s25;
	s26 =	smulhi.u32 $0x1FFC01, s21  }
0x55: {  	v60 =	vld [tilespmem:s17+$0x0];
	s19 =	sadd.s32 s20, s19;
	[tilespmem:s18+$0x0 ss:$0x81] =	vst.msk $0xffff, v0;
	p1 =	sgt.s32 s27, $0x7F;
	s28 =	sadd.s32 $0xFFFFF480, s24  }
0x56: {  	v61 =	vld [tilespmem:s17+$0x10];
	[tilespmem:s19+$0x3870 ss:$0x81] =	vst.msk $0xffff, v1;
	s22 =	sshrl.u32 s22, $0xB;
	p2 =	sgt.s32 s28, $0x7F;
	s18 =	sshrl.u32 s26, $0x3  }
0x57: {  	v62 =	vld [tilespmem:s17+$0x20];
	[tilespmem:s19+$0x810 ss:$0x81] =	vst.msk $0xffff, v5;
	s29 =	smul.u32 $0x4008, s18;
	s18 =	ssub.s32 $0x4008, s23;
	s23 =	ssub.s32 $0xC00, s24  }
0x58: {  	v63 =	vld [tilespmem:s17+$0xFFFFFFC0];
	[tilespmem:s19+$0x1020 ss:$0x81] =	vst.msk $0xffff, v58;
	s22 =	smul.u32 $0xC00, s22;
	s18 =	simm.s32 @p1 $0x0;
	s23 =	simm.s32 @p2 $0x0  }
0x59: {  	[tilespmem:s19+$0x1830 ss:$0x81] =	vst.msk $0xffff, v59;
	s18 =	smul.u32 s23, s18  }
.Ltmp4:
0x5a: {  	[tilespmem:s19+$0x2040 ss:$0x81] =	vst.msk $0xffff, v60;
	s20 =	ssub.s32 s31, s22;
	s17 =	ssub.s32 s21, s29;
	(pc) =	sbr.rel .LBB1_5-.Ltmp4, $4  }
0x5b: {  	[tilespmem:s19+$0x2850 ss:$0x81] =	vst.msk $0xffff, v61;
	s30 =	sshrl.u32 s20, $0x3;
	s20 =	sand.u32 $0x7, s20;
	s17 =	smul.u32 $0x180, s17  }
0x5c: {  	[tilespmem:s19+$0x3060 ss:$0x81] =	vst.msk $0xffff, v62;
	s21 =	sadd.s32 s3, s30;
	s20 =	sshll.u32 s20, $0x12  }
0x5d: {  	[tilespmem:s19+$0x0 ss:$0x81] =	vst.msk $0xffff, v63;
	s31 =	sor.u32 $0x400, s20;
	s18 =	sand.u32 $0x3FFFFFFF, s18;
	s17 =	sadd.s32 s17, s21  }
0x5e: {  	[hbm4b:s17+s31] =	stream.strided.scatter [tilespmem:s16], [sflag:$0x2], s18, s8, s31, $0x20;
	[tilespmem:$0x10100] =	vst v63  }
.LBB1_6:
0x5f: {  	_ =	sfence.sel $0x180000  }
0x60: {  	s2 =	simm.s32 $0x1;
	[bflag:$0x0] =	sbarrier.arrive $0xFFFF  }
0x61: {  	s31 =	simm.s32 $0x2;
	[sflag:s2] =	ssyncpa.u1 $0x1  }
0x62: {  	[sflag:s31] =	ssyncpa.u1 $0x1  }
0x63: {  	p0 =	sne.s32 s0, $0x0;
	_ =	strace $0x9000004A  }
0x64: {  	s0 =	sadd.s32 @!p0 $0x100000, s1;
	[bflag:$0x2] =	sbarrier.arrive $0xFFFF  }
0x65: {  	[sflag:s0] =	ssyncadd.tile.s32 @!p0 $0x1;
	_ =	shalt  }
.Lfunc_end1:
_tile_overlayer_lowered:
.L_overlay_start_2:
0x66: {  	(tag) =	ssettag $0x2  }
0x67: {  	s0 =	rddreg [dreg:$0x0];
	s2 =	stileid.u32  }
0x68: {  	s1 =	rddreg [dreg:$0x1];
	p0 =	sne.s32 s2, $0x0  }
0x69: {  	s3 =	rddreg [dreg:$0x2];
	[bflag:$0x3] =	sbarrier.arrive $0xFFFF;
	s2 =	simm.s32 @!p0 $0x1C01  }
0x6a: {  	[timem:s3], [sflag:s2] =	dma.local @!p0 [hbm:s0], s1  }
0x6b: {  	s0 =	simm.s32 @!p0 $0x1  }
0x6c: {  	_ =	swait.ge @!p0 [sflag:s0], s1  }
0x6d: {  	s1 =	ssub.s32 @!p0 $0x0, s1;
	[sflag:s0] =	ssyncset.done @!p0 $0x0  }
0x6e: {  	[sflag:s0] =	ssyncadd.s32 @!p0 s1  }
0x6f: {  	[bflag:$0x3] =	sbarrier.arrive $0xFFFF  }
0x70: {  	_ =	shalt  }

</sc_bundles>
